<compile_context>
chip_gen: v7x
topology: tpu7x:2x2x1
jax: 0.10.2.dev20260603
libtpu: 0.0.44.dev20260713+nightly
codegen_flags: <defaults>
</compile_context>

<pallas_src>
import functools

import jax
import jax.numpy as jnp
from jax import lax
from jax.experimental import pallas as pl
from jax.experimental.pallas import tpu as pltpu
from jax.experimental.pallas import tpu_sc as plsc

SIDE = 32
N = 1024
D = 96
NC = N - 2 * SIDE
BB = 8
B = 32

_info = plsc.get_sparse_core_info()
_NCORE = _info.num_cores
_NSUB = _info.num_subcores


@functools.partial(
    pl.kernel,
    mesh=plsc.VectorSubcoreMesh(core_axis_name="c", subcore_axis_name="s"),
    out_type=jax.ShapeDtypeStruct((B, N, D), jnp.float32),
    scratch_types=[pltpu.VMEM((N, D), jnp.float32)],
)
def _sc_copy(x_hbm, out_hbm, buf):
    wid = lax.axis_index("s") * _NCORE + lax.axis_index("c")
    pltpu.sync_copy(x_hbm.at[wid], buf)
    pltpu.sync_copy(buf, out_hbm.at[wid])


def _edges_kernel(x_ref, e_ref):
    iota = jax.lax.broadcasted_iota(jnp.int32, (2 * SIDE, NC), 1)
    for i in range(BB):
        xb = x_ref[i]
        s = jnp.concatenate([xb[:SIDE], xb[N - SIDE:]], axis=0)
        c = xb[SIDE:N - SIDE]

        snorm = jnp.sqrt(jnp.sum(s * s, axis=1, keepdims=True))
        s_n = s / jnp.maximum(snorm, 1e-12)
        cnorm = jnp.sqrt(jnp.sum(c * c, axis=1, keepdims=True))
        c_n = c / jnp.maximum(cnorm, 1e-12)

        scaled = jax.lax.dot_general(
            s_n, c_n, (((1,), (1,)), ((), ())),
            preferred_element_type=jnp.float32)

        mx = jnp.max(scaled, axis=1, keepdims=True)
        idx = jnp.min(jnp.where(scaled == mx, iota, NC), axis=1,
                      keepdims=True)
        one_hot = (iota == idx).astype(jnp.float32)

        e_ref[i] = jax.lax.dot_general(
            one_hot, c, (((1,), (0,)), ((), ())),
            preferred_element_type=jnp.float32)


def _splice_kernel(mid_hbm, e_hbm, out_hbm, ebuf, lsem, tsem, bsem):
    pltpu.make_async_copy(e_hbm, ebuf, lsem).start()
    pltpu.make_async_copy(e_hbm, ebuf, lsem).wait()
    top = pltpu.make_async_copy(
        ebuf.at[:, :SIDE], out_hbm.at[:, :SIDE], tsem)
    bot = pltpu.make_async_copy(
        ebuf.at[:, SIDE:], out_hbm.at[:, N - SIDE:], bsem)
    top.start()
    bot.start()
    top.wait()
    bot.wait()


def kernel(x):
    mid = _sc_copy(x)
    edges = pl.pallas_call(
        _edges_kernel,
        grid=(B // BB,),
        in_specs=[pl.BlockSpec((BB, N, D), lambda b: (b, 0, 0))],
        out_specs=pl.BlockSpec((BB, 2 * SIDE, D), lambda b: (b, 0, 0)),
        out_shape=jax.ShapeDtypeStruct((B, 2 * SIDE, D), x.dtype),
    )(x)
    return pl.pallas_call(
        _splice_kernel,
        in_specs=[pl.BlockSpec(memory_space=pl.ANY),
                  pl.BlockSpec(memory_space=pl.ANY)],
        out_specs=pl.BlockSpec(memory_space=pl.ANY),
        out_shape=jax.ShapeDtypeStruct((B, N, D), x.dtype),
        input_output_aliases={0: 0},
        scratch_shapes=[
            pltpu.VMEM((B, 2 * SIDE, D), jnp.float32),
            pltpu.SemaphoreType.DMA,
            pltpu.SemaphoreType.DMA,
            pltpu.SemaphoreType.DMA,
        ],
    )(mid, edges)

# --- scband reference (transcript-rebuilt; emitter-appended) ---
"""Pipeline reference for scband-patch-attention-47038481825862 (READ-ONLY COPY).

The authoritative reference and input builder live on the scoring server;
editing this copy changes nothing except your own understanding.
"""

import jax, jax.numpy as jnp
import numpy as np

SIDE = 32  # config.image_size // config.GEN_PIXEL_SIZE = 512 // 16


def _l2_normalize(v, eps=1e-12):
    # matches torch.nn.functional.normalize(p=2, dim=-1, eps)
    n = jnp.linalg.norm(v, axis=-1, keepdims=True)
    return v / jnp.maximum(n, eps)


def setup_inputs(seed: int = 0) -> dict:
    key = jax.random.key(seed)
    x = jax.random.normal(key, (32, 1024, 96), dtype=jnp.float32)
    return {"x": x}


def reference(x):
    side = SIDE
    l = x[:, :side, :]
    c = x[:, side:-side, :]
    r = x[:, -side:, :]
    s = jnp.concatenate([l, r], axis=1)  # [B, 2*side, D]
    s_norm = _l2_normalize(s)
    c_norm = _l2_normalize(c)
    dots = jnp.einsum('bid,bjd->bij', s_norm, c_norm)  # [B, 2*side, Nc]
    attn = jax.nn.softmax(dots, axis=-1)
    # top-1 hard masking: one-hot of the argmax along last dim
    idx = jnp.argmax(attn, axis=-1)  # [B, 2*side]
    attn_hard = jax.nn.one_hot(idx, attn.shape[-1], dtype=attn.dtype)
    # config.TEMP = 0 -> temperature branch skipped
    out = jnp.einsum('bij,bjd->bid', attn_hard, c)  # [B, 2*side, D]
    out = jnp.concatenate([out[:, :side, :], c, out[:, -side:, :]], axis=1)
    return out

if __name__ == "__main__":
    import jax
    _d = setup_inputs()
    print(jax.jit(kernel)(*tuple(_d.values())))

</pallas_src>

<mosaic_0001>
#map = affine_map<(d0, d1) -> (0, 0, 0)>
module attributes {stable_mosaic.version = 14 : i64} {
  func.func @_sc_copy(%arg0: i32, %arg1: i32, %arg2: memref<32x1024x96xf32, #tpu.memory_space<hbm>>, %arg3: memref<32x1024x96xf32, #tpu.memory_space<hbm>>, %arg4: memref<1024x96xf32, #tpu.memory_space<vmem>>) attributes {dimension_semantics = [#tpu.dimension_semantics<core_parallel>, #tpu.dimension_semantics<subcore_parallel>], iteration_bounds = array<i64: 2, 16>, scalar_prefetch = 0 : i64, scratch_operands = 1 : i64, tpu.core_type = #tpu.core_type<sc_vector_subcore>, window_params = [{transform_indices = #map}, {transform_indices = #map}]} {
    %mul3A = arith.constant 2 : i32
    %mul3A_0 = arith.muli %arg1, %mul3A : i32
    %add3A = arith.addi %mul3A_0, %arg0 : i32
    "tpu.region"() ({
      %run_scoped3A = tpu.sem_alloc : memref<!tpu.dma_semaphore, #tpu.memory_space<semaphore_mem>>
      %dma_start3A = arith.constant 0 : i32
      %dma_start3A_1 = arith.constant 0 : i32
      %dma_start3A_2 = tpu.memref_slice %arg2[%add3A, %dma_start3A, %dma_start3A_1] : memref<32x1024x96xf32, #tpu.memory_space<hbm>> -> memref<1x1024x96xf32, #tpu.memory_space<hbm>>
      %dma_start3A_3 = tpu.memref_squeeze %dma_start3A_2 : memref<1x1024x96xf32, #tpu.memory_space<hbm>> -> memref<1024x96xf32, #tpu.memory_space<hbm>>
      %dma_start3A_4 = arith.constant 0 : i32
      %dma_start3A_5 = arith.constant 0 : i32
      %dma_start3A_6 = tpu.memref_slice %arg2[%add3A, %dma_start3A_4, %dma_start3A_5] : memref<32x1024x96xf32, #tpu.memory_space<hbm>> -> memref<1x1024x96xf32, #tpu.memory_space<hbm>>
      %dma_start3A_7 = tpu.memref_squeeze %dma_start3A_6 : memref<1x1024x96xf32, #tpu.memory_space<hbm>> -> memref<1024x96xf32, #tpu.memory_space<hbm>>
      tpu.enqueue_dma source(%dma_start3A_7 : memref<1024x96xf32, #tpu.memory_space<hbm>>) target(%arg4 : memref<1024x96xf32, #tpu.memory_space<vmem>>) target_semaphore(%run_scoped3A : memref<!tpu.dma_semaphore, #tpu.memory_space<semaphore_mem>>)
      %dma_wait3A = arith.constant 0 : i32
      %dma_wait3A_8 = arith.constant 0 : i32
      %dma_wait3A_9 = tpu.memref_slice %arg2[%add3A, %dma_wait3A, %dma_wait3A_8] : memref<32x1024x96xf32, #tpu.memory_space<hbm>> -> memref<1x1024x96xf32, #tpu.memory_space<hbm>>
      %dma_wait3A_10 = tpu.memref_squeeze %dma_wait3A_9 : memref<1x1024x96xf32, #tpu.memory_space<hbm>> -> memref<1024x96xf32, #tpu.memory_space<hbm>>
      %dma_wait3A_11 = arith.constant 0 : i32
      %dma_wait3A_12 = arith.constant 0 : i32
      %dma_wait3A_13 = tpu.memref_slice %arg2[%add3A, %dma_wait3A_11, %dma_wait3A_12] : memref<32x1024x96xf32, #tpu.memory_space<hbm>> -> memref<1x1024x96xf32, #tpu.memory_space<hbm>>
      %dma_wait3A_14 = tpu.memref_squeeze %dma_wait3A_13 : memref<1x1024x96xf32, #tpu.memory_space<hbm>> -> memref<1024x96xf32, #tpu.memory_space<hbm>>
      tpu.wait_dma2 semaphore(%run_scoped3A : memref<!tpu.dma_semaphore, #tpu.memory_space<semaphore_mem>>) src(%dma_wait3A_14 : memref<1024x96xf32, #tpu.memory_space<hbm>>) dst(%arg4 : memref<1024x96xf32, #tpu.memory_space<vmem>>)
      tpu.yield
    }) : () -> ()
    "tpu.region"() ({
      %run_scoped3A = tpu.sem_alloc : memref<!tpu.dma_semaphore, #tpu.memory_space<semaphore_mem>>
      %dma_start3A = arith.constant 0 : i32
      %dma_start3A_1 = arith.constant 0 : i32
      %dma_start3A_2 = tpu.memref_slice %arg3[%add3A, %dma_start3A, %dma_start3A_1] : memref<32x1024x96xf32, #tpu.memory_space<hbm>> -> memref<1x1024x96xf32, #tpu.memory_space<hbm>>
      %dma_start3A_3 = tpu.memref_squeeze %dma_start3A_2 : memref<1x1024x96xf32, #tpu.memory_space<hbm>> -> memref<1024x96xf32, #tpu.memory_space<hbm>>
      %dma_start3A_4 = arith.constant 0 : i32
      %dma_start3A_5 = arith.constant 0 : i32
      %dma_start3A_6 = tpu.memref_slice %arg3[%add3A, %dma_start3A_4, %dma_start3A_5] : memref<32x1024x96xf32, #tpu.memory_space<hbm>> -> memref<1x1024x96xf32, #tpu.memory_space<hbm>>
      %dma_start3A_7 = tpu.memref_squeeze %dma_start3A_6 : memref<1x1024x96xf32, #tpu.memory_space<hbm>> -> memref<1024x96xf32, #tpu.memory_space<hbm>>
      tpu.enqueue_dma source(%arg4 : memref<1024x96xf32, #tpu.memory_space<vmem>>) target(%dma_start3A_7 : memref<1024x96xf32, #tpu.memory_space<hbm>>) target_semaphore(%run_scoped3A : memref<!tpu.dma_semaphore, #tpu.memory_space<semaphore_mem>>)
      %dma_wait3A = arith.constant 0 : i32
      %dma_wait3A_8 = arith.constant 0 : i32
      %dma_wait3A_9 = tpu.memref_slice %arg3[%add3A, %dma_wait3A, %dma_wait3A_8] : memref<32x1024x96xf32, #tpu.memory_space<hbm>> -> memref<1x1024x96xf32, #tpu.memory_space<hbm>>
      %dma_wait3A_10 = tpu.memref_squeeze %dma_wait3A_9 : memref<1x1024x96xf32, #tpu.memory_space<hbm>> -> memref<1024x96xf32, #tpu.memory_space<hbm>>
      %dma_wait3A_11 = arith.constant 0 : i32
      %dma_wait3A_12 = arith.constant 0 : i32
      %dma_wait3A_13 = tpu.memref_slice %arg3[%add3A, %dma_wait3A_11, %dma_wait3A_12] : memref<32x1024x96xf32, #tpu.memory_space<hbm>> -> memref<1x1024x96xf32, #tpu.memory_space<hbm>>
      %dma_wait3A_14 = tpu.memref_squeeze %dma_wait3A_13 : memref<1x1024x96xf32, #tpu.memory_space<hbm>> -> memref<1024x96xf32, #tpu.memory_space<hbm>>
      tpu.wait_dma2 semaphore(%run_scoped3A : memref<!tpu.dma_semaphore, #tpu.memory_space<semaphore_mem>>) src(%arg4 : memref<1024x96xf32, #tpu.memory_space<vmem>>) dst(%dma_wait3A_14 : memref<1024x96xf32, #tpu.memory_space<hbm>>)
      tpu.yield
    }) : () -> ()
    return
  }
}

module attributes {stable_mosaic.version = 14 : i64} {
  func.func @_splice_kernel(%arg0: memref<32x1024x96xf32, #tpu.memory_space<any>>, %arg1: memref<32x64x96xf32, #tpu.memory_space<any>>, %arg2: memref<32x1024x96xf32, #tpu.memory_space<any>>, %arg3: memref<32x64x96xf32, #tpu.memory_space<vmem>>, %arg4: memref<!tpu.dma_semaphore, #tpu.memory_space<semaphore_mem>>, %arg5: memref<!tpu.dma_semaphore, #tpu.memory_space<semaphore_mem>>, %arg6: memref<!tpu.dma_semaphore, #tpu.memory_space<semaphore_mem>>) attributes {dimension_semantics = [], scalar_prefetch = 0 : i64, scratch_operands = 4 : i64, tpu.core_type = #tpu.core_type<tc>} {
    tpu.enqueue_dma source(%arg1 : memref<32x64x96xf32, #tpu.memory_space<any>>) target(%arg3 : memref<32x64x96xf32, #tpu.memory_space<vmem>>) target_semaphore(%arg4 : memref<!tpu.dma_semaphore, #tpu.memory_space<semaphore_mem>>)
    tpu.wait_dma2 semaphore(%arg4 : memref<!tpu.dma_semaphore, #tpu.memory_space<semaphore_mem>>) src(%arg1 : memref<32x64x96xf32, #tpu.memory_space<any>>) dst(%arg3 : memref<32x64x96xf32, #tpu.memory_space<vmem>>)
    %dma_start3A = arith.constant 0 : i32
    %dma_start3A_0 = arith.constant 0 : i32
    %dma_start3A_1 = arith.constant 0 : i32
    %dma_start3A_2 = tpu.memref_slice %arg2[%dma_start3A, %dma_start3A_0, %dma_start3A_1] : memref<32x1024x96xf32, #tpu.memory_space<any>> -> memref<32x32x96xf32, #tpu.memory_space<any>>
    %dma_start3A_3 = arith.constant 0 : i32
    %dma_start3A_4 = arith.constant 0 : i32
    %dma_start3A_5 = arith.constant 0 : i32
    %dma_start3A_6 = tpu.memref_slice %arg3[%dma_start3A_3, %dma_start3A_4, %dma_start3A_5] : memref<32x64x96xf32, #tpu.memory_space<vmem>> -> memref<32x32x96xf32, #tpu.memory_space<vmem>>
    tpu.enqueue_dma source(%dma_start3A_6 : memref<32x32x96xf32, #tpu.memory_space<vmem>>) target(%dma_start3A_2 : memref<32x32x96xf32, #tpu.memory_space<any>>) target_semaphore(%arg5 : memref<!tpu.dma_semaphore, #tpu.memory_space<semaphore_mem>>)
    %dma_start3A_7 = arith.constant 0 : i32
    %dma_start3A_8 = arith.constant 992 : i32
    %dma_start3A_9 = arith.constant 0 : i32
    %dma_start3A_10 = tpu.memref_slice %arg2[%dma_start3A_7, %dma_start3A_8, %dma_start3A_9] : memref<32x1024x96xf32, #tpu.memory_space<any>> -> memref<32x32x96xf32, #tpu.memory_space<any>>
    %dma_start3A_11 = arith.constant 0 : i32
    %dma_start3A_12 = arith.constant 32 : i32
    %dma_start3A_13 = arith.constant 0 : i32
    %dma_start3A_14 = tpu.memref_slice %arg3[%dma_start3A_11, %dma_start3A_12, %dma_start3A_13] : memref<32x64x96xf32, #tpu.memory_space<vmem>> -> memref<32x32x96xf32, #tpu.memory_space<vmem>>
    tpu.enqueue_dma source(%dma_start3A_14 : memref<32x32x96xf32, #tpu.memory_space<vmem>>) target(%dma_start3A_10 : memref<32x32x96xf32, #tpu.memory_space<any>>) target_semaphore(%arg6 : memref<!tpu.dma_semaphore, #tpu.memory_space<semaphore_mem>>)
    %dma_wait3A = arith.constant 0 : i32
    %dma_wait3A_15 = arith.constant 0 : i32
    %dma_wait3A_16 = arith.constant 0 : i32
    %dma_wait3A_17 = tpu.memref_slice %arg2[%dma_wait3A, %dma_wait3A_15, %dma_wait3A_16] : memref<32x1024x96xf32, #tpu.memory_space<any>> -> memref<32x32x96xf32, #tpu.memory_space<any>>
    %dma_wait3A_18 = arith.constant 0 : i32
    %dma_wait3A_19 = arith.constant 0 : i32
    %dma_wait3A_20 = arith.constant 0 : i32
    %dma_wait3A_21 = tpu.memref_slice %arg3[%dma_wait3A_18, %dma_wait3A_19, %dma_wait3A_20] : memref<32x64x96xf32, #tpu.memory_space<vmem>> -> memref<32x32x96xf32, #tpu.memory_space<vmem>>
    tpu.wait_dma2 semaphore(%arg5 : memref<!tpu.dma_semaphore, #tpu.memory_space<semaphore_mem>>) src(%dma_wait3A_21 : memref<32x32x96xf32, #tpu.memory_space<vmem>>) dst(%dma_wait3A_17 : memref<32x32x96xf32, #tpu.memory_space<any>>)
    %dma_wait3A_22 = arith.constant 0 : i32
    %dma_wait3A_23 = arith.constant 992 : i32
    %dma_wait3A_24 = arith.constant 0 : i32
    %dma_wait3A_25 = tpu.memref_slice %arg2[%dma_wait3A_22, %dma_wait3A_23, %dma_wait3A_24] : memref<32x1024x96xf32, #tpu.memory_space<any>> -> memref<32x32x96xf32, #tpu.memory_space<any>>
    %dma_wait3A_26 = arith.constant 0 : i32
    %dma_wait3A_27 = arith.constant 32 : i32
    %dma_wait3A_28 = arith.constant 0 : i32
    %dma_wait3A_29 = tpu.memref_slice %arg3[%dma_wait3A_26, %dma_wait3A_27, %dma_wait3A_28] : memref<32x64x96xf32, #tpu.memory_space<vmem>> -> memref<32x32x96xf32, #tpu.memory_space<vmem>>
    tpu.wait_dma2 semaphore(%arg6 : memref<!tpu.dma_semaphore, #tpu.memory_space<semaphore_mem>>) src(%dma_wait3A_29 : memref<32x32x96xf32, #tpu.memory_space<vmem>>) dst(%dma_wait3A_25 : memref<32x32x96xf32, #tpu.memory_space<any>>)
    return
  }
}

module attributes {stable_mosaic.version = 14 : i64} {
  func.func @_edges_kernel(%arg0: i32, %arg1: memref<8x1024x96xf32, #tpu.memory_space<vmem>>, %arg2: memref<8x64x96xf32, #tpu.memory_space<vmem>>) attributes {dimension_semantics = [#tpu.dimension_semantics<arbitrary>], iteration_bounds = array<i64: 4>, scalar_prefetch = 0 : i64, scratch_operands = 0 : i64, tpu.core_type = #tpu.core_type<tc>, window_params = [{transform_indices = @transform_0, window_bounds = array<i64: 8, 1024, 96>}, {transform_indices = @transform_1, window_bounds = array<i64: 8, 64, 96>}]} {
    %iota3A = tpu.iota {dimensions = array<i32: 1>} : vector<64x960xi32>
    %get3A = arith.constant 0 : index
    %get3A_0 = arith.constant 0 : index
    %get3A_1 = arith.constant 0 : index
    %get3A_2 = vector.load %arg1[%get3A, %get3A_0, %get3A_1] : memref<8x1024x96xf32, #tpu.memory_space<vmem>>, vector<1x1024x96xf32>
    %get3A_3 = vector.shape_cast %get3A_2 : vector<1x1024x96xf32> to vector<1024x96xf32>
    %slice3A = vector.extract_strided_slice %get3A_3 {offsets = [0, 0], sizes = [32, 96], strides = [1, 1]} : vector<1024x96xf32> to vector<32x96xf32>
    %slice3A_4 = vector.extract_strided_slice %get3A_3 {offsets = [992, 0], sizes = [32, 96], strides = [1, 1]} : vector<1024x96xf32> to vector<32x96xf32>
    %concatenate3A = tpu.concatenate %slice3A, %slice3A_4 in 0 : vector<32x96xf32>, vector<32x96xf32> -> vector<64x96xf32>
    %slice3A_5 = vector.extract_strided_slice %get3A_3 {offsets = [32, 0], sizes = [960, 96], strides = [1, 1]} : vector<1024x96xf32> to vector<960x96xf32>
    %mul3A = arith.mulf %concatenate3A, %concatenate3A : vector<64x96xf32>
    %reduce_sum3A = arith.constant dense<0.000000e+00> : vector<64xf32>
    %reduce_sum3A_6 = vector.multi_reduction <add>, %mul3A, %reduce_sum3A [1] : vector<64x96xf32> to vector<64xf32>
    %broadcast_in_dim3A = vector.shape_cast %reduce_sum3A_6 : vector<64xf32> to vector<64x1xf32>
    %sqrt3A = math.sqrt %broadcast_in_dim3A : vector<64x1xf32>
    %max3A = arith.constant 9.99999996E-13 : f32
    %max3A_7 = vector.broadcast %max3A : f32 to vector<64x1xf32>
    %max3A_8 = arith.maximumf %sqrt3A, %max3A_7 : vector<64x1xf32>
    %div3A = vector.broadcast %max3A_8 : vector<64x1xf32> to vector<64x96xf32>
    %div3A_9 = arith.divf %concatenate3A, %div3A : vector<64x96xf32>
    %mul3A_10 = arith.mulf %slice3A_5, %slice3A_5 : vector<960x96xf32>
    %reduce_sum3A_11 = arith.constant dense<0.000000e+00> : vector<960xf32>
    %reduce_sum3A_12 = vector.multi_reduction <add>, %mul3A_10, %reduce_sum3A_11 [1] : vector<960x96xf32> to vector<960xf32>
    %broadcast_in_dim3A_13 = vector.shape_cast %reduce_sum3A_12 : vector<960xf32> to vector<960x1xf32>
    %sqrt3A_14 = math.sqrt %broadcast_in_dim3A_13 : vector<960x1xf32>
    %max3A_15 = arith.constant 9.99999996E-13 : f32
    %max3A_16 = vector.broadcast %max3A_15 : f32 to vector<960x1xf32>
    %max3A_17 = arith.maximumf %sqrt3A_14, %max3A_16 : vector<960x1xf32>
    %div3A_18 = vector.broadcast %max3A_17 : vector<960x1xf32> to vector<960x96xf32>
    %div3A_19 = arith.divf %slice3A_5, %div3A_18 : vector<960x96xf32>
    %dot_general3A = arith.constant dense<0.000000e+00> : vector<64x960xf32>
    %dot_general3A_20 = tpu.matmul %div3A_9, %div3A_19, %dot_general3A {dimension_numbers = #tpu.dot_dimension_numbers<[1], [1], [0], [0], [0, 0, 1, 0], [], []>, transpose_lhs_hint = false} : vector<64x96xf32>, vector<960x96xf32>, vector<64x960xf32> -> vector<64x960xf32>
    %reduce_max3A = arith.constant dense<0xFF800000> : vector<64xf32>
    %reduce_max3A_21 = vector.multi_reduction <maximumf>, %dot_general3A_20, %reduce_max3A [1] : vector<64x960xf32> to vector<64xf32>
    %broadcast_in_dim3A_22 = vector.shape_cast %reduce_max3A_21 : vector<64xf32> to vector<64x1xf32>
    %eq3A = vector.broadcast %broadcast_in_dim3A_22 : vector<64x1xf32> to vector<64x960xf32>
    %eq3A_23 = arith.cmpf oeq, %dot_general3A_20, %eq3A : vector<64x960xf32>
    %jit3A = arith.constant 960 : i32
    %broadcast_in_dim3A_24 = vector.broadcast %jit3A : i32 to vector<64x960xi32>
    %select_n3A = arith.select %eq3A_23, %iota3A, %broadcast_in_dim3A_24 : vector<64x960xi1>, vector<64x960xi32>
    %reduce_min3A = arith.constant dense<2147483647> : vector<64xi32>
    %reduce_min3A_25 = vector.multi_reduction <minsi>, %select_n3A, %reduce_min3A [1] : vector<64x960xi32> to vector<64xi32>
    %broadcast_in_dim3A_26 = vector.shape_cast %reduce_min3A_25 : vector<64xi32> to vector<64x1xi32>
    %eq3A_27 = vector.broadcast %broadcast_in_dim3A_26 : vector<64x1xi32> to vector<64x960xi32>
    %eq3A_28 = arith.cmpi eq, %iota3A, %eq3A_27 : vector<64x960xi32>
    %convert_element_type3A = arith.extui %eq3A_28 : vector<64x960xi1> to vector<64x960xi32>
    %convert_element_type3A_29 = arith.sitofp %convert_element_type3A : vector<64x960xi32> to vector<64x960xf32>
    %dot_general3A_30 = arith.constant dense<0.000000e+00> : vector<64x96xf32>
    %dot_general3A_31 = tpu.matmul %convert_element_type3A_29, %slice3A_5, %dot_general3A_30 {dimension_numbers = #tpu.dot_dimension_numbers<[1], [0], [0], [1], [0, 0, 1, 1], [], []>, transpose_lhs_hint = false} : vector<64x960xf32>, vector<960x96xf32>, vector<64x96xf32> -> vector<64x96xf32>
    %swap3A = arith.constant 0 : index
    %swap3A_32 = arith.constant 0 : index
    %swap3A_33 = arith.constant 0 : index
    %swap3A_34 = vector.load %arg2[%swap3A, %swap3A_32, %swap3A_33] : memref<8x64x96xf32, #tpu.memory_space<vmem>>, vector<1x64x96xf32>
    %swap3A_35 = vector.shape_cast %swap3A_34 : vector<1x64x96xf32> to vector<64x96xf32>
    %swap3A_36 = vector.shape_cast %dot_general3A_31 : vector<64x96xf32> to vector<1x64x96xf32>
    tpu.vector_store %arg2[%swap3A, %swap3A_32, %swap3A_33], %swap3A_36 {strides = array<i32>} : memref<8x64x96xf32, #tpu.memory_space<vmem>>, vector<1x64x96xf32>,
    %get3A_37 = arith.constant 1 : index
    %get3A_38 = arith.constant 0 : index
    %get3A_39 = arith.constant 0 : index
    %get3A_40 = vector.load %arg1[%get3A_37, %get3A_38, %get3A_39] : memref<8x1024x96xf32, #tpu.memory_space<vmem>>, vector<1x1024x96xf32>
    %get3A_41 = vector.shape_cast %get3A_40 : vector<1x1024x96xf32> to vector<1024x96xf32>
    %slice3A_42 = vector.extract_strided_slice %get3A_41 {offsets = [0, 0], sizes = [32, 96], strides = [1, 1]} : vector<1024x96xf32> to vector<32x96xf32>
    %slice3A_43 = vector.extract_strided_slice %get3A_41 {offsets = [992, 0], sizes = [32, 96], strides = [1, 1]} : vector<1024x96xf32> to vector<32x96xf32>
    %concatenate3A_44 = tpu.concatenate %slice3A_42, %slice3A_43 in 0 : vector<32x96xf32>, vector<32x96xf32> -> vector<64x96xf32>
    %slice3A_45 = vector.extract_strided_slice %get3A_41 {offsets = [32, 0], sizes = [960, 96], strides = [1, 1]} : vector<1024x96xf32> to vector<960x96xf32>
    %mul3A_46 = arith.mulf %concatenate3A_44, %concatenate3A_44 : vector<64x96xf32>
    %reduce_sum3A_47 = arith.constant dense<0.000000e+00> : vector<64xf32>
    %reduce_sum3A_48 = vector.multi_reduction <add>, %mul3A_46, %reduce_sum3A_47 [1] : vector<64x96xf32> to vector<64xf32>
    %broadcast_in_dim3A_49 = vector.shape_cast %reduce_sum3A_48 : vector<64xf32> to vector<64x1xf32>
    %sqrt3A_50 = math.sqrt %broadcast_in_dim3A_49 : vector<64x1xf32>
    %max3A_51 = arith.constant 9.99999996E-13 : f32
    %max3A_52 = vector.broadcast %max3A_51 : f32 to vector<64x1xf32>
    %max3A_53 = arith.maximumf %sqrt3A_50, %max3A_52 : vector<64x1xf32>
    %div3A_54 = vector.broadcast %max3A_53 : vector<64x1xf32> to vector<64x96xf32>
    %div3A_55 = arith.divf %concatenate3A_44, %div3A_54 : vector<64x96xf32>
    %mul3A_56 = arith.mulf %slice3A_45, %slice3A_45 : vector<960x96xf32>
    %reduce_sum3A_57 = arith.constant dense<0.000000e+00> : vector<960xf32>
    %reduce_sum3A_58 = vector.multi_reduction <add>, %mul3A_56, %reduce_sum3A_57 [1] : vector<960x96xf32> to vector<960xf32>
    %broadcast_in_dim3A_59 = vector.shape_cast %reduce_sum3A_58 : vector<960xf32> to vector<960x1xf32>
    %sqrt3A_60 = math.sqrt %broadcast_in_dim3A_59 : vector<960x1xf32>
    %max3A_61 = arith.constant 9.99999996E-13 : f32
    %max3A_62 = vector.broadcast %max3A_61 : f32 to vector<960x1xf32>
    %max3A_63 = arith.maximumf %sqrt3A_60, %max3A_62 : vector<960x1xf32>
    %div3A_64 = vector.broadcast %max3A_63 : vector<960x1xf32> to vector<960x96xf32>
    %div3A_65 = arith.divf %slice3A_45, %div3A_64 : vector<960x96xf32>
    %dot_general3A_66 = arith.constant dense<0.000000e+00> : vector<64x960xf32>
    %dot_general3A_67 = tpu.matmul %div3A_55, %div3A_65, %dot_general3A_66 {dimension_numbers = #tpu.dot_dimension_numbers<[1], [1], [0], [0], [0, 0, 1, 0], [], []>, transpose_lhs_hint = false} : vector<64x96xf32>, vector<960x96xf32>, vector<64x960xf32> -> vector<64x960xf32>
    %reduce_max3A_68 = arith.constant dense<0xFF800000> : vector<64xf32>
    %reduce_max3A_69 = vector.multi_reduction <maximumf>, %dot_general3A_67, %reduce_max3A_68 [1] : vector<64x960xf32> to vector<64xf32>
    %broadcast_in_dim3A_70 = vector.shape_cast %reduce_max3A_69 : vector<64xf32> to vector<64x1xf32>
    %eq3A_71 = vector.broadcast %broadcast_in_dim3A_70 : vector<64x1xf32> to vector<64x960xf32>
    %eq3A_72 = arith.cmpf oeq, %dot_general3A_67, %eq3A_71 : vector<64x960xf32>
    %jit3A_73 = arith.constant 960 : i32
    %broadcast_in_dim3A_74 = vector.broadcast %jit3A_73 : i32 to vector<64x960xi32>
    %select_n3A_75 = arith.select %eq3A_72, %iota3A, %broadcast_in_dim3A_74 : vector<64x960xi1>, vector<64x960xi32>
    %reduce_min3A_76 = arith.constant dense<2147483647> : vector<64xi32>
    %reduce_min3A_77 = vector.multi_reduction <minsi>, %select_n3A_75, %reduce_min3A_76 [1] : vector<64x960xi32> to vector<64xi32>
    %broadcast_in_dim3A_78 = vector.shape_cast %reduce_min3A_77 : vector<64xi32> to vector<64x1xi32>
    %eq3A_79 = vector.broadcast %broadcast_in_dim3A_78 : vector<64x1xi32> to vector<64x960xi32>
    %eq3A_80 = arith.cmpi eq, %iota3A, %eq3A_79 : vector<64x960xi32>
    %convert_element_type3A_81 = arith.extui %eq3A_80 : vector<64x960xi1> to vector<64x960xi32>
    %convert_element_type3A_82 = arith.sitofp %convert_element_type3A_81 : vector<64x960xi32> to vector<64x960xf32>
    %dot_general3A_83 = arith.constant dense<0.000000e+00> : vector<64x96xf32>
    %dot_general3A_84 = tpu.matmul %convert_element_type3A_82, %slice3A_45, %dot_general3A_83 {dimension_numbers = #tpu.dot_dimension_numbers<[1], [0], [0], [1], [0, 0, 1, 1], [], []>, transpose_lhs_hint = false} : vector<64x960xf32>, vector<960x96xf32>, vector<64x96xf32> -> vector<64x96xf32>
    %swap3A_85 = arith.constant 1 : index
    %swap3A_86 = arith.constant 0 : index
    %swap3A_87 = arith.constant 0 : index
    %swap3A_88 = vector.load %arg2[%swap3A_85, %swap3A_86, %swap3A_87] : memref<8x64x96xf32, #tpu.memory_space<vmem>>, vector<1x64x96xf32>
    %swap3A_89 = vector.shape_cast %swap3A_88 : vector<1x64x96xf32> to vector<64x96xf32>
    %swap3A_90 = vector.shape_cast %dot_general3A_84 : vector<64x96xf32> to vector<1x64x96xf32>
    tpu.vector_store %arg2[%swap3A_85, %swap3A_86, %swap3A_87], %swap3A_90 {strides = array<i32>} : memref<8x64x96xf32, #tpu.memory_space<vmem>>, vector<1x64x96xf32>,
    %get3A_91 = arith.constant 2 : index
    %get3A_92 = arith.constant 0 : index
    %get3A_93 = arith.constant 0 : index
    %get3A_94 = vector.load %arg1[%get3A_91, %get3A_92, %get3A_93] : memref<8x1024x96xf32, #tpu.memory_space<vmem>>, vector<1x1024x96xf32>
    %get3A_95 = vector.shape_cast %get3A_94 : vector<1x1024x96xf32> to vector<1024x96xf32>
    %slice3A_96 = vector.extract_strided_slice %get3A_95 {offsets = [0, 0], sizes = [32, 96], strides = [1, 1]} : vector<1024x96xf32> to vector<32x96xf32>
    %slice3A_97 = vector.extract_strided_slice %get3A_95 {offsets = [992, 0], sizes = [32, 96], strides = [1, 1]} : vector<1024x96xf32> to vector<32x96xf32>
    %concatenate3A_98 = tpu.concatenate %slice3A_96, %slice3A_97 in 0 : vector<32x96xf32>, vector<32x96xf32> -> vector<64x96xf32>
    %slice3A_99 = vector.extract_strided_slice %get3A_95 {offsets = [32, 0], sizes = [960, 96], strides = [1, 1]} : vector<1024x96xf32> to vector<960x96xf32>
    %mul3A_100 = arith.mulf %concatenate3A_98, %concatenate3A_98 : vector<64x96xf32>
    %reduce_sum3A_101 = arith.constant dense<0.000000e+00> : vector<64xf32>
    %reduce_sum3A_102 = vector.multi_reduction <add>, %mul3A_100, %reduce_sum3A_101 [1] : vector<64x96xf32> to vector<64xf32>
    %broadcast_in_dim3A_103 = vector.shape_cast %reduce_sum3A_102 : vector<64xf32> to vector<64x1xf32>
    %sqrt3A_104 = math.sqrt %broadcast_in_dim3A_103 : vector<64x1xf32>
    %max3A_105 = arith.constant 9.99999996E-13 : f32
    %max3A_106 = vector.broadcast %max3A_105 : f32 to vector<64x1xf32>
    %max3A_107 = arith.maximumf %sqrt3A_104, %max3A_106 : vector<64x1xf32>
    %div3A_108 = vector.broadcast %max3A_107 : vector<64x1xf32> to vector<64x96xf32>
    %div3A_109 = arith.divf %concatenate3A_98, %div3A_108 : vector<64x96xf32>
    %mul3A_110 = arith.mulf %slice3A_99, %slice3A_99 : vector<960x96xf32>
    %reduce_sum3A_111 = arith.constant dense<0.000000e+00> : vector<960xf32>
    %reduce_sum3A_112 = vector.multi_reduction <add>, %mul3A_110, %reduce_sum3A_111 [1] : vector<960x96xf32> to vector<960xf32>
    %broadcast_in_dim3A_113 = vector.shape_cast %reduce_sum3A_112 : vector<960xf32> to vector<960x1xf32>
    %sqrt3A_114 = math.sqrt %broadcast_in_dim3A_113 : vector<960x1xf32>
    %max3A_115 = arith.constant 9.99999996E-13 : f32
    %max3A_116 = vector.broadcast %max3A_115 : f32 to vector<960x1xf32>
    %max3A_117 = arith.maximumf %sqrt3A_114, %max3A_116 : vector<960x1xf32>
    %div3A_118 = vector.broadcast %max3A_117 : vector<960x1xf32> to vector<960x96xf32>
    %div3A_119 = arith.divf %slice3A_99, %div3A_118 : vector<960x96xf32>
    %dot_general3A_120 = arith.constant dense<0.000000e+00> : vector<64x960xf32>
    %dot_general3A_121 = tpu.matmul %div3A_109, %div3A_119, %dot_general3A_120 {dimension_numbers = #tpu.dot_dimension_numbers<[1], [1], [0], [0], [0, 0, 1, 0], [], []>, transpose_lhs_hint = false} : vector<64x96xf32>, vector<960x96xf32>, vector<64x960xf32> -> vector<64x960xf32>
    %reduce_max3A_122 = arith.constant dense<0xFF800000> : vector<64xf32>
    %reduce_max3A_123 = vector.multi_reduction <maximumf>, %dot_general3A_121, %reduce_max3A_122 [1] : vector<64x960xf32> to vector<64xf32>
    %broadcast_in_dim3A_124 = vector.shape_cast %reduce_max3A_123 : vector<64xf32> to vector<64x1xf32>
    %eq3A_125 = vector.broadcast %broadcast_in_dim3A_124 : vector<64x1xf32> to vector<64x960xf32>
    %eq3A_126 = arith.cmpf oeq, %dot_general3A_121, %eq3A_125 : vector<64x960xf32>
    %jit3A_127 = arith.constant 960 : i32
    %broadcast_in_dim3A_128 = vector.broadcast %jit3A_127 : i32 to vector<64x960xi32>
    %select_n3A_129 = arith.select %eq3A_126, %iota3A, %broadcast_in_dim3A_128 : vector<64x960xi1>, vector<64x960xi32>
    %reduce_min3A_130 = arith.constant dense<2147483647> : vector<64xi32>
    %reduce_min3A_131 = vector.multi_reduction <minsi>, %select_n3A_129, %reduce_min3A_130 [1] : vector<64x960xi32> to vector<64xi32>
    %broadcast_in_dim3A_132 = vector.shape_cast %reduce_min3A_131 : vector<64xi32> to vector<64x1xi32>
    %eq3A_133 = vector.broadcast %broadcast_in_dim3A_132 : vector<64x1xi32> to vector<64x960xi32>
    %eq3A_134 = arith.cmpi eq, %iota3A, %eq3A_133 : vector<64x960xi32>
    %convert_element_type3A_135 = arith.extui %eq3A_134 : vector<64x960xi1> to vector<64x960xi32>
    %convert_element_type3A_136 = arith.sitofp %convert_element_type3A_135 : vector<64x960xi32> to vector<64x960xf32>
    %dot_general3A_137 = arith.constant dense<0.000000e+00> : vector<64x96xf32>
    %dot_general3A_138 = tpu.matmul %convert_element_type3A_136, %slice3A_99, %dot_general3A_137 {dimension_numbers = #tpu.dot_dimension_numbers<[1], [0], [0], [1], [0, 0, 1, 1], [], []>, transpose_lhs_hint = false} : vector<64x960xf32>, vector<960x96xf32>, vector<64x96xf32> -> vector<64x96xf32>
    %swap3A_139 = arith.constant 2 : index
    %swap3A_140 = arith.constant 0 : index
    %swap3A_141 = arith.constant 0 : index
    %swap3A_142 = vector.load %arg2[%swap3A_139, %swap3A_140, %swap3A_141] : memref<8x64x96xf32, #tpu.memory_space<vmem>>, vector<1x64x96xf32>
    %swap3A_143 = vector.shape_cast %swap3A_142 : vector<1x64x96xf32> to vector<64x96xf32>
    %swap3A_144 = vector.shape_cast %dot_general3A_138 : vector<64x96xf32> to vector<1x64x96xf32>
    tpu.vector_store %arg2[%swap3A_139, %swap3A_140, %swap3A_141], %swap3A_144 {strides = array<i32>} : memref<8x64x96xf32, #tpu.memory_space<vmem>>, vector<1x64x96xf32>,
    %get3A_145 = arith.constant 3 : index
    %get3A_146 = arith.constant 0 : index
    %get3A_147 = arith.constant 0 : index
    %get3A_148 = vector.load %arg1[%get3A_145, %get3A_146, %get3A_147] : memref<8x1024x96xf32, #tpu.memory_space<vmem>>, vector<1x1024x96xf32>
    %get3A_149 = vector.shape_cast %get3A_148 : vector<1x1024x96xf32> to vector<1024x96xf32>
    %slice3A_150 = vector.extract_strided_slice %get3A_149 {offsets = [0, 0], sizes = [32, 96], strides = [1, 1]} : vector<1024x96xf32> to vector<32x96xf32>
    %slice3A_151 = vector.extract_strided_slice %get3A_149 {offsets = [992, 0], sizes = [32, 96], strides = [1, 1]} : vector<1024x96xf32> to vector<32x96xf32>
    %concatenate3A_152 = tpu.concatenate %slice3A_150, %slice3A_151 in 0 : vector<32x96xf32>, vector<32x96xf32> -> vector<64x96xf32>
    %slice3A_153 = vector.extract_strided_slice %get3A_149 {offsets = [32, 0], sizes = [960, 96], strides = [1, 1]} : vector<1024x96xf32> to vector<960x96xf32>
    %mul3A_154 = arith.mulf %concatenate3A_152, %concatenate3A_152 : vector<64x96xf32>
    %reduce_sum3A_155 = arith.constant dense<0.000000e+00> : vector<64xf32>
    %reduce_sum3A_156 = vector.multi_reduction <add>, %mul3A_154, %reduce_sum3A_155 [1] : vector<64x96xf32> to vector<64xf32>
    %broadcast_in_dim3A_157 = vector.shape_cast %reduce_sum3A_156 : vector<64xf32> to vector<64x1xf32>
    %sqrt3A_158 = math.sqrt %broadcast_in_dim3A_157 : vector<64x1xf32>
    %max3A_159 = arith.constant 9.99999996E-13 : f32
    %max3A_160 = vector.broadcast %max3A_159 : f32 to vector<64x1xf32>
    %max3A_161 = arith.maximumf %sqrt3A_158, %max3A_160 : vector<64x1xf32>
    %div3A_162 = vector.broadcast %max3A_161 : vector<64x1xf32> to vector<64x96xf32>
    %div3A_163 = arith.divf %concatenate3A_152, %div3A_162 : vector<64x96xf32>
    %mul3A_164 = arith.mulf %slice3A_153, %slice3A_153 : vector<960x96xf32>
    %reduce_sum3A_165 = arith.constant dense<0.000000e+00> : vector<960xf32>
    %reduce_sum3A_166 = vector.multi_reduction <add>, %mul3A_164, %reduce_sum3A_165 [1] : vector<960x96xf32> to vector<960xf32>
    %broadcast_in_dim3A_167 = vector.shape_cast %reduce_sum3A_166 : vector<960xf32> to vector<960x1xf32>
    %sqrt3A_168 = math.sqrt %broadcast_in_dim3A_167 : vector<960x1xf32>
    %max3A_169 = arith.constant 9.99999996E-13 : f32
    %max3A_170 = vector.broadcast %max3A_169 : f32 to vector<960x1xf32>
    %max3A_171 = arith.maximumf %sqrt3A_168, %max3A_170 : vector<960x1xf32>
    %div3A_172 = vector.broadcast %max3A_171 : vector<960x1xf32> to vector<960x96xf32>
    %div3A_173 = arith.divf %slice3A_153, %div3A_172 : vector<960x96xf32>
    %dot_general3A_174 = arith.constant dense<0.000000e+00> : vector<64x960xf32>
    %dot_general3A_175 = tpu.matmul %div3A_163, %div3A_173, %dot_general3A_174 {dimension_numbers = #tpu.dot_dimension_numbers<[1], [1], [0], [0], [0, 0, 1, 0], [], []>, transpose_lhs_hint = false} : vector<64x96xf32>, vector<960x96xf32>, vector<64x960xf32> -> vector<64x960xf32>
    %reduce_max3A_176 = arith.constant dense<0xFF800000> : vector<64xf32>
    %reduce_max3A_177 = vector.multi_reduction <maximumf>, %dot_general3A_175, %reduce_max3A_176 [1] : vector<64x960xf32> to vector<64xf32>
    %broadcast_in_dim3A_178 = vector.shape_cast %reduce_max3A_177 : vector<64xf32> to vector<64x1xf32>
    %eq3A_179 = vector.broadcast %broadcast_in_dim3A_178 : vector<64x1xf32> to vector<64x960xf32>
    %eq3A_180 = arith.cmpf oeq, %dot_general3A_175, %eq3A_179 : vector<64x960xf32>
    %jit3A_181 = arith.constant 960 : i32
    %broadcast_in_dim3A_182 = vector.broadcast %jit3A_181 : i32 to vector<64x960xi32>
    %select_n3A_183 = arith.select %eq3A_180, %iota3A, %broadcast_in_dim3A_182 : vector<64x960xi1>, vector<64x960xi32>
    %reduce_min3A_184 = arith.constant dense<2147483647> : vector<64xi32>
    %reduce_min3A_185 = vector.multi_reduction <minsi>, %select_n3A_183, %reduce_min3A_184 [1] : vector<64x960xi32> to vector<64xi32>
    %broadcast_in_dim3A_186 = vector.shape_cast %reduce_min3A_185 : vector<64xi32> to vector<64x1xi32>
    %eq3A_187 = vector.broadcast %broadcast_in_dim3A_186 : vector<64x1xi32> to vector<64x960xi32>
    %eq3A_188 = arith.cmpi eq, %iota3A, %eq3A_187 : vector<64x960xi32>
    %convert_element_type3A_189 = arith.extui %eq3A_188 : vector<64x960xi1> to vector<64x960xi32>
    %convert_element_type3A_190 = arith.sitofp %convert_element_type3A_189 : vector<64x960xi32> to vector<64x960xf32>
    %dot_general3A_191 = arith.constant dense<0.000000e+00> : vector<64x96xf32>
    %dot_general3A_192 = tpu.matmul %convert_element_type3A_190, %slice3A_153, %dot_general3A_191 {dimension_numbers = #tpu.dot_dimension_numbers<[1], [0], [0], [1], [0, 0, 1, 1], [], []>, transpose_lhs_hint = false} : vector<64x960xf32>, vector<960x96xf32>, vector<64x96xf32> -> vector<64x96xf32>
    %swap3A_193 = arith.constant 3 : index
    %swap3A_194 = arith.constant 0 : index
    %swap3A_195 = arith.constant 0 : index
    %swap3A_196 = vector.load %arg2[%swap3A_193, %swap3A_194, %swap3A_195] : memref<8x64x96xf32, #tpu.memory_space<vmem>>, vector<1x64x96xf32>
    %swap3A_197 = vector.shape_cast %swap3A_196 : vector<1x64x96xf32> to vector<64x96xf32>
    %swap3A_198 = vector.shape_cast %dot_general3A_192 : vector<64x96xf32> to vector<1x64x96xf32>
    tpu.vector_store %arg2[%swap3A_193, %swap3A_194, %swap3A_195], %swap3A_198 {strides = array<i32>} : memref<8x64x96xf32, #tpu.memory_space<vmem>>, vector<1x64x96xf32>,
    %get3A_199 = arith.constant 4 : index
    %get3A_200 = arith.constant 0 : index
    %get3A_201 = arith.constant 0 : index
    %get3A_202 = vector.load %arg1[%get3A_199, %get3A_200, %get3A_201] : memref<8x1024x96xf32, #tpu.memory_space<vmem>>, vector<1x1024x96xf32>
    %get3A_203 = vector.shape_cast %get3A_202 : vector<1x1024x96xf32> to vector<1024x96xf32>
    %slice3A_204 = vector.extract_strided_slice %get3A_203 {offsets = [0, 0], sizes = [32, 96], strides = [1, 1]} : vector<1024x96xf32> to vector<32x96xf32>
    %slice3A_205 = vector.extract_strided_slice %get3A_203 {offsets = [992, 0], sizes = [32, 96], strides = [1, 1]} : vector<1024x96xf32> to vector<32x96xf32>
    %concatenate3A_206 = tpu.concatenate %slice3A_204, %slice3A_205 in 0 : vector<32x96xf32>, vector<32x96xf32> -> vector<64x96xf32>
    %slice3A_207 = vector.extract_strided_slice %get3A_203 {offsets = [32, 0], sizes = [960, 96], strides = [1, 1]} : vector<1024x96xf32> to vector<960x96xf32>
    %mul3A_208 = arith.mulf %concatenate3A_206, %concatenate3A_206 : vector<64x96xf32>
    %reduce_sum3A_209 = arith.constant dense<0.000000e+00> : vector<64xf32>
    %reduce_sum3A_210 = vector.multi_reduction <add>, %mul3A_208, %reduce_sum3A_209 [1] : vector<64x96xf32> to vector<64xf32>
    %broadcast_in_dim3A_211 = vector.shape_cast %reduce_sum3A_210 : vector<64xf32> to vector<64x1xf32>
    %sqrt3A_212 = math.sqrt %broadcast_in_dim3A_211 : vector<64x1xf32>
    %max3A_213 = arith.constant 9.99999996E-13 : f32
    %max3A_214 = vector.broadcast %max3A_213 : f32 to vector<64x1xf32>
    %max3A_215 = arith.maximumf %sqrt3A_212, %max3A_214 : vector<64x1xf32>
    %div3A_216 = vector.broadcast %max3A_215 : vector<64x1xf32> to vector<64x96xf32>
    %div3A_217 = arith.divf %concatenate3A_206, %div3A_216 : vector<64x96xf32>
    %mul3A_218 = arith.mulf %slice3A_207, %slice3A_207 : vector<960x96xf32>
    %reduce_sum3A_219 = arith.constant dense<0.000000e+00> : vector<960xf32>
    %reduce_sum3A_220 = vector.multi_reduction <add>, %mul3A_218, %reduce_sum3A_219 [1] : vector<960x96xf32> to vector<960xf32>
    %broadcast_in_dim3A_221 = vector.shape_cast %reduce_sum3A_220 : vector<960xf32> to vector<960x1xf32>
    %sqrt3A_222 = math.sqrt %broadcast_in_dim3A_221 : vector<960x1xf32>
    %max3A_223 = arith.constant 9.99999996E-13 : f32
    %max3A_224 = vector.broadcast %max3A_223 : f32 to vector<960x1xf32>
    %max3A_225 = arith.maximumf %sqrt3A_222, %max3A_224 : vector<960x1xf32>
    %div3A_226 = vector.broadcast %max3A_225 : vector<960x1xf32> to vector<960x96xf32>
    %div3A_227 = arith.divf %slice3A_207, %div3A_226 : vector<960x96xf32>
    %dot_general3A_228 = arith.constant dense<0.000000e+00> : vector<64x960xf32>
    %dot_general3A_229 = tpu.matmul %div3A_217, %div3A_227, %dot_general3A_228 {dimension_numbers = #tpu.dot_dimension_numbers<[1], [1], [0], [0], [0, 0, 1, 0], [], []>, transpose_lhs_hint = false} : vector<64x96xf32>, vector<960x96xf32>, vector<64x960xf32> -> vector<64x960xf32>
    %reduce_max3A_230 = arith.constant dense<0xFF800000> : vector<64xf32>
    %reduce_max3A_231 = vector.multi_reduction <maximumf>, %dot_general3A_229, %reduce_max3A_230 [1] : vector<64x960xf32> to vector<64xf32>
    %broadcast_in_dim3A_232 = vector.shape_cast %reduce_max3A_231 : vector<64xf32> to vector<64x1xf32>
    %eq3A_233 = vector.broadcast %broadcast_in_dim3A_232 : vector<64x1xf32> to vector<64x960xf32>
    %eq3A_234 = arith.cmpf oeq, %dot_general3A_229, %eq3A_233 : vector<64x960xf32>
    %jit3A_235 = arith.constant 960 : i32
    %broadcast_in_dim3A_236 = vector.broadcast %jit3A_235 : i32 to vector<64x960xi32>
    %select_n3A_237 = arith.select %eq3A_234, %iota3A, %broadcast_in_dim3A_236 : vector<64x960xi1>, vector<64x960xi32>
    %reduce_min3A_238 = arith.constant dense<2147483647> : vector<64xi32>
    %reduce_min3A_239 = vector.multi_reduction <minsi>, %select_n3A_237, %reduce_min3A_238 [1] : vector<64x960xi32> to vector<64xi32>
    %broadcast_in_dim3A_240 = vector.shape_cast %reduce_min3A_239 : vector<64xi32> to vector<64x1xi32>
    %eq3A_241 = vector.broadcast %broadcast_in_dim3A_240 : vector<64x1xi32> to vector<64x960xi32>
    %eq3A_242 = arith.cmpi eq, %iota3A, %eq3A_241 : vector<64x960xi32>
    %convert_element_type3A_243 = arith.extui %eq3A_242 : vector<64x960xi1> to vector<64x960xi32>
    %convert_element_type3A_244 = arith.sitofp %convert_element_type3A_243 : vector<64x960xi32> to vector<64x960xf32>
    %dot_general3A_245 = arith.constant dense<0.000000e+00> : vector<64x96xf32>
    %dot_general3A_246 = tpu.matmul %convert_element_type3A_244, %slice3A_207, %dot_general3A_245 {dimension_numbers = #tpu.dot_dimension_numbers<[1], [0], [0], [1], [0, 0, 1, 1], [], []>, transpose_lhs_hint = false} : vector<64x960xf32>, vector<960x96xf32>, vector<64x96xf32> -> vector<64x96xf32>
    %swap3A_247 = arith.constant 4 : index
    %swap3A_248 = arith.constant 0 : index
    %swap3A_249 = arith.constant 0 : index
    %swap3A_250 = vector.load %arg2[%swap3A_247, %swap3A_248, %swap3A_249] : memref<8x64x96xf32, #tpu.memory_space<vmem>>, vector<1x64x96xf32>
    %swap3A_251 = vector.shape_cast %swap3A_250 : vector<1x64x96xf32> to vector<64x96xf32>
    %swap3A_252 = vector.shape_cast %dot_general3A_246 : vector<64x96xf32> to vector<1x64x96xf32>
    tpu.vector_store %arg2[%swap3A_247, %swap3A_248, %swap3A_249], %swap3A_252 {strides = array<i32>} : memref<8x64x96xf32, #tpu.memory_space<vmem>>, vector<1x64x96xf32>,
    %get3A_253 = arith.constant 5 : index
    %get3A_254 = arith.constant 0 : index
    %get3A_255 = arith.constant 0 : index
    %get3A_256 = vector.load %arg1[%get3A_253, %get3A_254, %get3A_255] : memref<8x1024x96xf32, #tpu.memory_space<vmem>>, vector<1x1024x96xf32>
    %get3A_257 = vector.shape_cast %get3A_256 : vector<1x1024x96xf32> to vector<1024x96xf32>
    %slice3A_258 = vector.extract_strided_slice %get3A_257 {offsets = [0, 0], sizes = [32, 96], strides = [1, 1]} : vector<1024x96xf32> to vector<32x96xf32>
    %slice3A_259 = vector.extract_strided_slice %get3A_257 {offsets = [992, 0], sizes = [32, 96], strides = [1, 1]} : vector<1024x96xf32> to vector<32x96xf32>
    %concatenate3A_260 = tpu.concatenate %slice3A_258, %slice3A_259 in 0 : vector<32x96xf32>, vector<32x96xf32> -> vector<64x96xf32>
    %slice3A_261 = vector.extract_strided_slice %get3A_257 {offsets = [32, 0], sizes = [960, 96], strides = [1, 1]} : vector<1024x96xf32> to vector<960x96xf32>
    %mul3A_262 = arith.mulf %concatenate3A_260, %concatenate3A_260 : vector<64x96xf32>
    %reduce_sum3A_263 = arith.constant dense<0.000000e+00> : vector<64xf32>
    %reduce_sum3A_264 = vector.multi_reduction <add>, %mul3A_262, %reduce_sum3A_263 [1] : vector<64x96xf32> to vector<64xf32>
    %broadcast_in_dim3A_265 = vector.shape_cast %reduce_sum3A_264 : vector<64xf32> to vector<64x1xf32>
    %sqrt3A_266 = math.sqrt %broadcast_in_dim3A_265 : vector<64x1xf32>
    %max3A_267 = arith.constant 9.99999996E-13 : f32
    %max3A_268 = vector.broadcast %max3A_267 : f32 to vector<64x1xf32>
    %max3A_269 = arith.maximumf %sqrt3A_266, %max3A_268 : vector<64x1xf32>
    %div3A_270 = vector.broadcast %max3A_269 : vector<64x1xf32> to vector<64x96xf32>
    %div3A_271 = arith.divf %concatenate3A_260, %div3A_270 : vector<64x96xf32>
    %mul3A_272 = arith.mulf %slice3A_261, %slice3A_261 : vector<960x96xf32>
    %reduce_sum3A_273 = arith.constant dense<0.000000e+00> : vector<960xf32>
    %reduce_sum3A_274 = vector.multi_reduction <add>, %mul3A_272, %reduce_sum3A_273 [1] : vector<960x96xf32> to vector<960xf32>
    %broadcast_in_dim3A_275 = vector.shape_cast %reduce_sum3A_274 : vector<960xf32> to vector<960x1xf32>
    %sqrt3A_276 = math.sqrt %broadcast_in_dim3A_275 : vector<960x1xf32>
    %max3A_277 = arith.constant 9.99999996E-13 : f32
    %max3A_278 = vector.broadcast %max3A_277 : f32 to vector<960x1xf32>
    %max3A_279 = arith.maximumf %sqrt3A_276, %max3A_278 : vector<960x1xf32>
    %div3A_280 = vector.broadcast %max3A_279 : vector<960x1xf32> to vector<960x96xf32>
    %div3A_281 = arith.divf %slice3A_261, %div3A_280 : vector<960x96xf32>
    %dot_general3A_282 = arith.constant dense<0.000000e+00> : vector<64x960xf32>
    %dot_general3A_283 = tpu.matmul %div3A_271, %div3A_281, %dot_general3A_282 {dimension_numbers = #tpu.dot_dimension_numbers<[1], [1], [0], [0], [0, 0, 1, 0], [], []>, transpose_lhs_hint = false} : vector<64x96xf32>, vector<960x96xf32>, vector<64x960xf32> -> vector<64x960xf32>
    %reduce_max3A_284 = arith.constant dense<0xFF800000> : vector<64xf32>
    %reduce_max3A_285 = vector.multi_reduction <maximumf>, %dot_general3A_283, %reduce_max3A_284 [1] : vector<64x960xf32> to vector<64xf32>
    %broadcast_in_dim3A_286 = vector.shape_cast %reduce_max3A_285 : vector<64xf32> to vector<64x1xf32>
    %eq3A_287 = vector.broadcast %broadcast_in_dim3A_286 : vector<64x1xf32> to vector<64x960xf32>
    %eq3A_288 = arith.cmpf oeq, %dot_general3A_283, %eq3A_287 : vector<64x960xf32>
    %jit3A_289 = arith.constant 960 : i32
    %broadcast_in_dim3A_290 = vector.broadcast %jit3A_289 : i32 to vector<64x960xi32>
    %select_n3A_291 = arith.select %eq3A_288, %iota3A, %broadcast_in_dim3A_290 : vector<64x960xi1>, vector<64x960xi32>
    %reduce_min3A_292 = arith.constant dense<2147483647> : vector<64xi32>
    %reduce_min3A_293 = vector.multi_reduction <minsi>, %select_n3A_291, %reduce_min3A_292 [1] : vector<64x960xi32> to vector<64xi32>
    %broadcast_in_dim3A_294 = vector.shape_cast %reduce_min3A_293 : vector<64xi32> to vector<64x1xi32>
    %eq3A_295 = vector.broadcast %broadcast_in_dim3A_294 : vector<64x1xi32> to vector<64x960xi32>
    %eq3A_296 = arith.cmpi eq, %iota3A, %eq3A_295 : vector<64x960xi32>
    %convert_element_type3A_297 = arith.extui %eq3A_296 : vector<64x960xi1> to vector<64x960xi32>
    %convert_element_type3A_298 = arith.sitofp %convert_element_type3A_297 : vector<64x960xi32> to vector<64x960xf32>
    %dot_general3A_299 = arith.constant dense<0.000000e+00> : vector<64x96xf32>
    %dot_general3A_300 = tpu.matmul %convert_element_type3A_298, %slice3A_261, %dot_general3A_299 {dimension_numbers = #tpu.dot_dimension_numbers<[1], [0], [0], [1], [0, 0, 1, 1], [], []>, transpose_lhs_hint = false} : vector<64x960xf32>, vector<960x96xf32>, vector<64x96xf32> -> vector<64x96xf32>
    %swap3A_301 = arith.constant 5 : index
    %swap3A_302 = arith.constant 0 : index
    %swap3A_303 = arith.constant 0 : index
    %swap3A_304 = vector.load %arg2[%swap3A_301, %swap3A_302, %swap3A_303] : memref<8x64x96xf32, #tpu.memory_space<vmem>>, vector<1x64x96xf32>
    %swap3A_305 = vector.shape_cast %swap3A_304 : vector<1x64x96xf32> to vector<64x96xf32>
    %swap3A_306 = vector.shape_cast %dot_general3A_300 : vector<64x96xf32> to vector<1x64x96xf32>
    tpu.vector_store %arg2[%swap3A_301, %swap3A_302, %swap3A_303], %swap3A_306 {strides = array<i32>} : memref<8x64x96xf32, #tpu.memory_space<vmem>>, vector<1x64x96xf32>,
    %get3A_307 = arith.constant 6 : index
    %get3A_308 = arith.constant 0 : index
    %get3A_309 = arith.constant 0 : index
    %get3A_310 = vector.load %arg1[%get3A_307, %get3A_308, %get3A_309] : memref<8x1024x96xf32, #tpu.memory_space<vmem>>, vector<1x1024x96xf32>
    %get3A_311 = vector.shape_cast %get3A_310 : vector<1x1024x96xf32> to vector<1024x96xf32>
    %slice3A_312 = vector.extract_strided_slice %get3A_311 {offsets = [0, 0], sizes = [32, 96], strides = [1, 1]} : vector<1024x96xf32> to vector<32x96xf32>
    %slice3A_313 = vector.extract_strided_slice %get3A_311 {offsets = [992, 0], sizes = [32, 96], strides = [1, 1]} : vector<1024x96xf32> to vector<32x96xf32>
    %concatenate3A_314 = tpu.concatenate %slice3A_312, %slice3A_313 in 0 : vector<32x96xf32>, vector<32x96xf32> -> vector<64x96xf32>
    %slice3A_315 = vector.extract_strided_slice %get3A_311 {offsets = [32, 0], sizes = [960, 96], strides = [1, 1]} : vector<1024x96xf32> to vector<960x96xf32>
    %mul3A_316 = arith.mulf %concatenate3A_314, %concatenate3A_314 : vector<64x96xf32>
    %reduce_sum3A_317 = arith.constant dense<0.000000e+00> : vector<64xf32>
    %reduce_sum3A_318 = vector.multi_reduction <add>, %mul3A_316, %reduce_sum3A_317 [1] : vector<64x96xf32> to vector<64xf32>
    %broadcast_in_dim3A_319 = vector.shape_cast %reduce_sum3A_318 : vector<64xf32> to vector<64x1xf32>
    %sqrt3A_320 = math.sqrt %broadcast_in_dim3A_319 : vector<64x1xf32>
    %max3A_321 = arith.constant 9.99999996E-13 : f32
    %max3A_322 = vector.broadcast %max3A_321 : f32 to vector<64x1xf32>
    %max3A_323 = arith.maximumf %sqrt3A_320, %max3A_322 : vector<64x1xf32>
    %div3A_324 = vector.broadcast %max3A_323 : vector<64x1xf32> to vector<64x96xf32>
    %div3A_325 = arith.divf %concatenate3A_314, %div3A_324 : vector<64x96xf32>
    %mul3A_326 = arith.mulf %slice3A_315, %slice3A_315 : vector<960x96xf32>
    %reduce_sum3A_327 = arith.constant dense<0.000000e+00> : vector<960xf32>
    %reduce_sum3A_328 = vector.multi_reduction <add>, %mul3A_326, %reduce_sum3A_327 [1] : vector<960x96xf32> to vector<960xf32>
    %broadcast_in_dim3A_329 = vector.shape_cast %reduce_sum3A_328 : vector<960xf32> to vector<960x1xf32>
    %sqrt3A_330 = math.sqrt %broadcast_in_dim3A_329 : vector<960x1xf32>
    %max3A_331 = arith.constant 9.99999996E-13 : f32
    %max3A_332 = vector.broadcast %max3A_331 : f32 to vector<960x1xf32>
    %max3A_333 = arith.maximumf %sqrt3A_330, %max3A_332 : vector<960x1xf32>
    %div3A_334 = vector.broadcast %max3A_333 : vector<960x1xf32> to vector<960x96xf32>
    %div3A_335 = arith.divf %slice3A_315, %div3A_334 : vector<960x96xf32>
    %dot_general3A_336 = arith.constant dense<0.000000e+00> : vector<64x960xf32>
    %dot_general3A_337 = tpu.matmul %div3A_325, %div3A_335, %dot_general3A_336 {dimension_numbers = #tpu.dot_dimension_numbers<[1], [1], [0], [0], [0, 0, 1, 0], [], []>, transpose_lhs_hint = false} : vector<64x96xf32>, vector<960x96xf32>, vector<64x960xf32> -> vector<64x960xf32>
    %reduce_max3A_338 = arith.constant dense<0xFF800000> : vector<64xf32>
    %reduce_max3A_339 = vector.multi_reduction <maximumf>, %dot_general3A_337, %reduce_max3A_338 [1] : vector<64x960xf32> to vector<64xf32>
    %broadcast_in_dim3A_340 = vector.shape_cast %reduce_max3A_339 : vector<64xf32> to vector<64x1xf32>
    %eq3A_341 = vector.broadcast %broadcast_in_dim3A_340 : vector<64x1xf32> to vector<64x960xf32>
    %eq3A_342 = arith.cmpf oeq, %dot_general3A_337, %eq3A_341 : vector<64x960xf32>
    %jit3A_343 = arith.constant 960 : i32
    %broadcast_in_dim3A_344 = vector.broadcast %jit3A_343 : i32 to vector<64x960xi32>
    %select_n3A_345 = arith.select %eq3A_342, %iota3A, %broadcast_in_dim3A_344 : vector<64x960xi1>, vector<64x960xi32>
    %reduce_min3A_346 = arith.constant dense<2147483647> : vector<64xi32>
    %reduce_min3A_347 = vector.multi_reduction <minsi>, %select_n3A_345, %reduce_min3A_346 [1] : vector<64x960xi32> to vector<64xi32>
    %broadcast_in_dim3A_348 = vector.shape_cast %reduce_min3A_347 : vector<64xi32> to vector<64x1xi32>
    %eq3A_349 = vector.broadcast %broadcast_in_dim3A_348 : vector<64x1xi32> to vector<64x960xi32>
    %eq3A_350 = arith.cmpi eq, %iota3A, %eq3A_349 : vector<64x960xi32>
    %convert_element_type3A_351 = arith.extui %eq3A_350 : vector<64x960xi1> to vector<64x960xi32>
    %convert_element_type3A_352 = arith.sitofp %convert_element_type3A_351 : vector<64x960xi32> to vector<64x960xf32>
    %dot_general3A_353 = arith.constant dense<0.000000e+00> : vector<64x96xf32>
    %dot_general3A_354 = tpu.matmul %convert_element_type3A_352, %slice3A_315, %dot_general3A_353 {dimension_numbers = #tpu.dot_dimension_numbers<[1], [0], [0], [1], [0, 0, 1, 1], [], []>, transpose_lhs_hint = false} : vector<64x960xf32>, vector<960x96xf32>, vector<64x96xf32> -> vector<64x96xf32>
    %swap3A_355 = arith.constant 6 : index
    %swap3A_356 = arith.constant 0 : index
    %swap3A_357 = arith.constant 0 : index
    %swap3A_358 = vector.load %arg2[%swap3A_355, %swap3A_356, %swap3A_357] : memref<8x64x96xf32, #tpu.memory_space<vmem>>, vector<1x64x96xf32>
    %swap3A_359 = vector.shape_cast %swap3A_358 : vector<1x64x96xf32> to vector<64x96xf32>
    %swap3A_360 = vector.shape_cast %dot_general3A_354 : vector<64x96xf32> to vector<1x64x96xf32>
    tpu.vector_store %arg2[%swap3A_355, %swap3A_356, %swap3A_357], %swap3A_360 {strides = array<i32>} : memref<8x64x96xf32, #tpu.memory_space<vmem>>, vector<1x64x96xf32>,
    %get3A_361 = arith.constant 7 : index
    %get3A_362 = arith.constant 0 : index
    %get3A_363 = arith.constant 0 : index
    %get3A_364 = vector.load %arg1[%get3A_361, %get3A_362, %get3A_363] : memref<8x1024x96xf32, #tpu.memory_space<vmem>>, vector<1x1024x96xf32>
    %get3A_365 = vector.shape_cast %get3A_364 : vector<1x1024x96xf32> to vector<1024x96xf32>
    %slice3A_366 = vector.extract_strided_slice %get3A_365 {offsets = [0, 0], sizes = [32, 96], strides = [1, 1]} : vector<1024x96xf32> to vector<32x96xf32>
    %slice3A_367 = vector.extract_strided_slice %get3A_365 {offsets = [992, 0], sizes = [32, 96], strides = [1, 1]} : vector<1024x96xf32> to vector<32x96xf32>
    %concatenate3A_368 = tpu.concatenate %slice3A_366, %slice3A_367 in 0 : vector<32x96xf32>, vector<32x96xf32> -> vector<64x96xf32>
    %slice3A_369 = vector.extract_strided_slice %get3A_365 {offsets = [32, 0], sizes = [960, 96], strides = [1, 1]} : vector<1024x96xf32> to vector<960x96xf32>
    %mul3A_370 = arith.mulf %concatenate3A_368, %concatenate3A_368 : vector<64x96xf32>
    %reduce_sum3A_371 = arith.constant dense<0.000000e+00> : vector<64xf32>
    %reduce_sum3A_372 = vector.multi_reduction <add>, %mul3A_370, %reduce_sum3A_371 [1] : vector<64x96xf32> to vector<64xf32>
    %broadcast_in_dim3A_373 = vector.shape_cast %reduce_sum3A_372 : vector<64xf32> to vector<64x1xf32>
    %sqrt3A_374 = math.sqrt %broadcast_in_dim3A_373 : vector<64x1xf32>
    %max3A_375 = arith.constant 9.99999996E-13 : f32
    %max3A_376 = vector.broadcast %max3A_375 : f32 to vector<64x1xf32>
    %max3A_377 = arith.maximumf %sqrt3A_374, %max3A_376 : vector<64x1xf32>
    %div3A_378 = vector.broadcast %max3A_377 : vector<64x1xf32> to vector<64x96xf32>
    %div3A_379 = arith.divf %concatenate3A_368, %div3A_378 : vector<64x96xf32>
    %mul3A_380 = arith.mulf %slice3A_369, %slice3A_369 : vector<960x96xf32>
    %reduce_sum3A_381 = arith.constant dense<0.000000e+00> : vector<960xf32>
    %reduce_sum3A_382 = vector.multi_reduction <add>, %mul3A_380, %reduce_sum3A_381 [1] : vector<960x96xf32> to vector<960xf32>
    %broadcast_in_dim3A_383 = vector.shape_cast %reduce_sum3A_382 : vector<960xf32> to vector<960x1xf32>
    %sqrt3A_384 = math.sqrt %broadcast_in_dim3A_383 : vector<960x1xf32>
    %max3A_385 = arith.constant 9.99999996E-13 : f32
    %max3A_386 = vector.broadcast %max3A_385 : f32 to vector<960x1xf32>
    %max3A_387 = arith.maximumf %sqrt3A_384, %max3A_386 : vector<960x1xf32>
    %div3A_388 = vector.broadcast %max3A_387 : vector<960x1xf32> to vector<960x96xf32>
    %div3A_389 = arith.divf %slice3A_369, %div3A_388 : vector<960x96xf32>
    %dot_general3A_390 = arith.constant dense<0.000000e+00> : vector<64x960xf32>
    %dot_general3A_391 = tpu.matmul %div3A_379, %div3A_389, %dot_general3A_390 {dimension_numbers = #tpu.dot_dimension_numbers<[1], [1], [0], [0], [0, 0, 1, 0], [], []>, transpose_lhs_hint = false} : vector<64x96xf32>, vector<960x96xf32>, vector<64x960xf32> -> vector<64x960xf32>
    %reduce_max3A_392 = arith.constant dense<0xFF800000> : vector<64xf32>
    %reduce_max3A_393 = vector.multi_reduction <maximumf>, %dot_general3A_391, %reduce_max3A_392 [1] : vector<64x960xf32> to vector<64xf32>
    %broadcast_in_dim3A_394 = vector.shape_cast %reduce_max3A_393 : vector<64xf32> to vector<64x1xf32>
    %eq3A_395 = vector.broadcast %broadcast_in_dim3A_394 : vector<64x1xf32> to vector<64x960xf32>
    %eq3A_396 = arith.cmpf oeq, %dot_general3A_391, %eq3A_395 : vector<64x960xf32>
    %jit3A_397 = arith.constant 960 : i32
    %broadcast_in_dim3A_398 = vector.broadcast %jit3A_397 : i32 to vector<64x960xi32>
    %select_n3A_399 = arith.select %eq3A_396, %iota3A, %broadcast_in_dim3A_398 : vector<64x960xi1>, vector<64x960xi32>
    %reduce_min3A_400 = arith.constant dense<2147483647> : vector<64xi32>
    %reduce_min3A_401 = vector.multi_reduction <minsi>, %select_n3A_399, %reduce_min3A_400 [1] : vector<64x960xi32> to vector<64xi32>
    %broadcast_in_dim3A_402 = vector.shape_cast %reduce_min3A_401 : vector<64xi32> to vector<64x1xi32>
    %eq3A_403 = vector.broadcast %broadcast_in_dim3A_402 : vector<64x1xi32> to vector<64x960xi32>
    %eq3A_404 = arith.cmpi eq, %iota3A, %eq3A_403 : vector<64x960xi32>
    %convert_element_type3A_405 = arith.extui %eq3A_404 : vector<64x960xi1> to vector<64x960xi32>
    %convert_element_type3A_406 = arith.sitofp %convert_element_type3A_405 : vector<64x960xi32> to vector<64x960xf32>
    %dot_general3A_407 = arith.constant dense<0.000000e+00> : vector<64x96xf32>
    %dot_general3A_408 = tpu.matmul %convert_element_type3A_406, %slice3A_369, %dot_general3A_407 {dimension_numbers = #tpu.dot_dimension_numbers<[1], [0], [0], [1], [0, 0, 1, 1], [], []>, transpose_lhs_hint = false} : vector<64x960xf32>, vector<960x96xf32>, vector<64x96xf32> -> vector<64x96xf32>
    %swap3A_409 = arith.constant 7 : index
    %swap3A_410 = arith.constant 0 : index
    %swap3A_411 = arith.constant 0 : index
    %swap3A_412 = vector.load %arg2[%swap3A_409, %swap3A_410, %swap3A_411] : memref<8x64x96xf32, #tpu.memory_space<vmem>>, vector<1x64x96xf32>
    %swap3A_413 = vector.shape_cast %swap3A_412 : vector<1x64x96xf32> to vector<64x96xf32>
    %swap3A_414 = vector.shape_cast %dot_general3A_408 : vector<64x96xf32> to vector<1x64x96xf32>
    tpu.vector_store %arg2[%swap3A_409, %swap3A_410, %swap3A_411], %swap3A_414 {strides = array<i32>} : memref<8x64x96xf32, #tpu.memory_space<vmem>>, vector<1x64x96xf32>,
    return
  }
  func.func @transform_0(%arg0: i32) -> (i32, i32, i32) {
    %c0_i32 = arith.constant 0 : i32
    %c0_i32_0 = arith.constant 0 : i32
    %c0_i32_1 = arith.constant 0 : i32
    return %arg0, %c0_i32, %c0_i32_0 : i32, i32, i32
  }
  func.func @transform_1(%arg0: i32) -> (i32, i32, i32) {
    %c0_i32 = arith.constant 0 : i32
    %c0_i32_0 = arith.constant 0 : i32
    %c0_i32_1 = arith.constant 0 : i32
    return %arg0, %c0_i32, %c0_i32_0 : i32, i32, i32
  }
}

</mosaic_0001>

<sc_bundles>
// kernel: kernel.5.cloned.1.call-start
scs
__scs_entry_jumppad:
0x0: {  	(pc) =	sbr.rel $0x88, $3  }
0x1: {  	(tag) =	ssettag $0x0;
	lr =	simm.s32 $0x1  }
0x2: {  	[smem:$0x3FA0] =	sst lr;
	_ =	strace $0xD0000000  }
0x3: {  	_ = 	snop  }
0x4: {  	_ = 	snop  }
0x5: {  	_ = 	snop  }
0x6: {  	_ = 	snop  }
0x7: {  	_ = 	snop  }
__scs_overlays_trampoline_lowered:
0x8: {  	[smem:$0x3FAF] =	sst s0  }
0x9: {  	[smem:$0x3FB0] =	sst s1  }
0xa: {  	[smem:$0x3FB1] =	sst s2  }
0xb: {  	[smem:$0x3FB2] =	sst s3  }
0xc: {  	[smem:$0x3FB3] =	sst s4  }
0xd: {  	[smem:$0x3FB4] =	sst s5  }
0xe: {  	[smem:$0x3FB5] =	sst s6  }
0xf: {  	[smem:$0x3FB6] =	sst s7  }
0x10: {  	[smem:$0x3FB7] =	sst s8  }
0x11: {  	[smem:$0x3FB8] =	sst s9;
	s0 =	simm.s32 @!p0 $0x0  }
0x12: {  	s1 =	sld [smem:$0x3F9E];
	s0 =	simm.s32 @p0 $0x1  }
0x13: {  	[smem:$0x3FB9] =	sst s0;
	s0 =	simm.s32 @!p1 $0x0  }
0x14: {  	s2 =	sld [smem:$0x3F9D];
	s0 =	simm.s32 @p1 $0x1  }
0x15: {  	[smem:$0x3FBA] =	sst s0;
	s0 =	simm.s32 @!p2 $0x0  }
0x16: {  	s3 =	sld [smem:$0x3FDB];
	s0 =	simm.s32 @p2 $0x1  }
0x17: {  	s4 =	simm.s32 $0x1BF5;
	[smem:$0x3FBC] =	sst s0  }
0x18: {  	s0 =	sld [smem:$0x3F9F];
	_ =	swait.ge [sflag:s4], $0x0  }
0x19: {  	s7 =	sld [smem:$0x3FA0]  }
0x1a: {  	s8 =	sadd.s32 $0xFFFFE003, lr  }
0x1b: {  	s9 =	sadd.s32 $0xFFFFFEF7, lr;
	s5 =	simm.s32 $0xFFFFFFFF;
	p2 =	slt.u32 s8, $0xFFFFF086  }
0x1c: {  	p1 =	slt.u32 s9, $0xF7A;
	s5 =	simm.s32 @!p2 $0x0  }
0x1d: {  	s5 =	simm.s32 @p1 $0x1;
	p0 =	seq.s32 s7, s2  }
0x1e: {  	s7 =	smul.u32 @!p0 $0xF7A, s2;
	p2 =	seq.s32 @!p0 s5, $0x0  }
0x1f: {  	s9 =	smul.u32 $0xF7A, s1;
	s8 =	simm.s32 @!p0 $0x1BF5;
	p2 =	por !p2, p0  }
0x20: {  	[sflag:s8] =	ssyncset.s32 @!p0 $0xFFFFF086;
	s6 =	sadd.s32 @!p0 s3, s7;
	s7 =	simm.s32 @!p0 $0x108  }
0x21: {  	s3 =	sadd.s32 s3, s9;
	s6 =	sadd.s32 @!p0 $0x88, s6;
	s7 =	simm.s32 @p2 $0x1082  }
0x22: {  	[simem:s7], [sflag:s8] =	dma.local @!p0 [hbm:s6], $0xF7A  }
0x23: {  	s9 =	sor.u32 $0xD0000000, s2;
	s6 =	simm.s32 $0x108;
	_ =	swait.ge @!p0 [sflag:s8], $0x0  }
0x24: {  	s3 =	sadd.s32 $0x88, s3;
	s6 =	simm.s32 @!p1 $0x1082;
	[sflag:s4] =	ssyncset.s32 $0xFFFFF086  }
0x25: {  	[simem:s6], [sflag:s4] =	dma.local [hbm:s3], $0xF7A  }
0x26: {  	[smem:$0x3FA0] =	sst s1;
	(tag) =	ssettag s2;
	_ =	strace s9  }
0x27: {  	s1 =	sld [smem:$0x3FB0]  }
0x28: {  	s2 =	sld [smem:$0x3FB1]  }
0x29: {  	s4 =	sld [smem:$0x3FB3]  }
0x2a: {  	p0 =	seq.s32 s5, $0x0;
	s5 =	sld [smem:$0x3FB4]  }
0x2b: {  	s6 =	sld [smem:$0x3FB5]  }
0x2c: {  	s7 =	sld [smem:$0x3FB6]  }
0x2d: {  	s3 =	simm.s32 $0x108;
	s8 =	sld [smem:$0x3FB7]  }
0x2e: {  	s3 =	simm.s32 @!p0 $0x1082;
	s9 =	sld [smem:$0x3FB8]  }
0x2f: {  	lr =	sadd.s32 s0, s3;
	s0 =	sld [smem:$0x3FAF]  }
0x30: {  	s3 =	sld [smem:$0x3FB2]  }
0x31: {  	[smem:$0x3FBB] =	sst s10  }
0x32: {  	s10 =	sld [smem:$0x3FB9];
	_ =	sdelay $0x3  }
0x33: {  	p0 =	seq.s32 s10, $0x1;
	s10 =	sld [smem:$0x3FBB];
	_ =	sdelay $0x3  }
0x34: {  	[smem:$0x3FBB] =	sst s10  }
0x35: {  	s10 =	sld [smem:$0x3FBA];
	_ =	sdelay $0x3  }
0x36: {  	p1 =	seq.s32 s10, $0x1;
	s10 =	sld [smem:$0x3FBB];
	_ =	sdelay $0x3  }
0x37: {  	[smem:$0x3FBB] =	sst s10  }
0x38: {  	s10 =	sld [smem:$0x3FBC]  }
0x39: {  	_ = 	snop;
	(pc) =	sbr.ind lr, $3  }
0x3a: {  	_ = 	snop  }
0x3b: {  	_ = 	snop  }
0x3c: {  	p2 =	seq.s32 s10, $0x1;
	s10 =	sld [smem:$0x3FBB]  }
0x3d: {  	_ =	shalt  }
0x3e: {  	_ =	shalt  }
0x3f: {  	_ =	shalt  }
0x40: {  	_ =	shalt  }
0x41: {  	_ =	shalt  }
0x42: {  	_ =	shalt  }
0x43: {  	_ =	shalt  }
0x44: {  	_ =	shalt  }
0x45: {  	_ =	shalt  }
0x46: {  	_ =	shalt  }
0x47: {  	_ =	shalt  }
0x48: {  	_ =	shalt  }
0x49: {  	_ =	shalt  }
0x4a: {  	_ =	shalt  }
0x4b: {  	_ =	shalt  }
0x4c: {  	_ =	shalt  }
0x4d: {  	_ =	shalt  }
0x4e: {  	_ =	shalt  }
0x4f: {  	_ =	shalt  }
0x50: {  	_ =	shalt  }
0x51: {  	_ =	shalt  }
0x52: {  	_ =	shalt  }
0x53: {  	_ =	shalt  }
0x54: {  	_ =	shalt  }
0x55: {  	_ =	shalt  }
0x56: {  	_ =	shalt  }
0x57: {  	_ =	shalt  }
0x58: {  	_ =	shalt  }
0x59: {  	_ =	shalt  }
0x5a: {  	_ =	shalt  }
0x5b: {  	_ =	shalt  }
0x5c: {  	_ =	shalt  }
0x5d: {  	_ =	shalt  }
0x5e: {  	_ =	shalt  }
0x5f: {  	_ =	shalt  }
0x60: {  	_ =	shalt  }
0x61: {  	_ =	shalt  }
0x62: {  	_ =	shalt  }
0x63: {  	_ =	shalt  }
0x64: {  	_ =	shalt  }
0x65: {  	_ =	shalt  }
0x66: {  	_ =	shalt  }
0x67: {  	_ =	shalt  }
0x68: {  	_ =	shalt  }
0x69: {  	_ =	shalt  }
0x6a: {  	_ =	shalt  }
0x6b: {  	_ =	shalt  }
0x6c: {  	_ =	shalt  }
0x6d: {  	_ =	shalt  }
0x6e: {  	_ =	shalt  }
0x6f: {  	_ =	shalt  }
0x70: {  	_ =	shalt  }
0x71: {  	_ =	shalt  }
0x72: {  	_ =	shalt  }
0x73: {  	_ =	shalt  }
0x74: {  	_ =	shalt  }
0x75: {  	_ =	shalt  }
0x76: {  	_ =	shalt  }
0x77: {  	_ =	shalt  }
0x78: {  	_ =	shalt  }
0x79: {  	_ =	shalt  }
0x7a: {  	_ =	shalt  }
0x7b: {  	_ =	shalt  }
0x7c: {  	_ =	shalt  }
0x7d: {  	_ =	shalt  }
0x7e: {  	_ =	shalt  }
0x7f: {  	_ =	shalt  }
0x80: {  	_ =	shalt  }
0x81: {  	_ =	shalt  }
0x82: {  	_ =	shalt  }
0x83: {  	_ =	shalt  }
0x84: {  	_ =	shalt  }
0x85: {  	_ =	shalt  }
0x86: {  	_ =	shalt  }
0x87: {  	_ =	shalt  }
.Lfunc_end0:
.L_simem_size_0:
called_computation_lowered:
.L_overlay_start_0:
0x88: {  	s2 =	sld [smem:$0x3FD9]  }
0x89: {  	s3 =	sld [smem:$0x3FFE];
	_ =	sdelay $0x1  }
0x8a: {  	s1 =	srdreg.scid  }
0x8b: {  	s0 =	sand.u32 $0x1, s1  }
0x8c: {  	s16 =	sshll.u32 s0, $0xA;
	s2 =	sadd.s32 s3, s2  }
0x8d: {  	s2 =	sadd.s32 s2, s16  }
0x8e: {  	[smem:$0x3FC7] =	sst s2  }
0x8f: {  	_ = 	snop  }
0x90: {  	(tm) =	ssettm $0x1  }
0x91: {  	s17 =	sld [smem:$0x3FFB];
	_ =	sdelay $0x3  }
0x92: {  	_ =	strace s17  }
0x93: {  	s2 =	sld [smem:$0x3FFC];
	_ =	sdelay $0x3  }
0x94: {  	_ =	strace s2  }
0x95: {  	s2 =	sld [smem:$0x3FFD];
	_ =	sdelay $0x3  }
0x96: {  	_ =	strace s2  }
0x97: {  	_ =	strace $0x8FFFFFFF  }
0x98: {  	s18 =	sld [smem:$0x3FDB];
	_ =	sdelay $0x1  }
0x99: {  	s19 =	simm.s32 $_scs_section_size  }
0x9a: {  	s4 =	simm.s32 $_size__tile_overlayer_lowered;
	s5 =	simm.s32 $_tile_overlayer_lowered  }
0x9b: {  	s22 =	simm.s32 $0x1BFF;
	s21 =	sshll.u32 s5, $0x1;
	s2 =	sadd.s32 s19, s18  }
0x9c: {  	s6 =	simm.s32 $0x0;
	s20 =	sshll.u32 s4, $0x1;
	s4 =	sadd.s32 s21, s2  }
0x9d: {  	[timem:s6], [sflag:s22] =	dma.local [hbm:s4], s20  }
0x9e: {  	_ =	swait.ge [sflag:s22], s20  }
0x9f: {  	s3 =	ssub.s32 $0x0, s20;
	[sflag:s22] =	ssyncset.done $0x0  }
0xa0: {  	[sflag:s22] =	ssyncadd.s32 s3;
	_ =	sdelay $0x1  }
0xa1: {  	s23 =	simm.s32 $0x1B8B  }
0xa2: {  	_ =	swait.ge [sflag:s23], $0x1  }
0xa3: {  	[sflag:s23] =	ssyncset.done $0x0  }
0xa4: {  	s25 =	simm.s32 $0x1B8E;
	s24 =	sld [smem:$0x3FFE];
	[sflag:s23] =	ssyncadd.s32 $0xFFFFFFFF  }
0xa5: {  	s26 =	simm.s32 $execute0_lowered;
	[smem:$0x3FD2] =	sst s25  }
0xa6: {  	s4 =	sshll.u32 s26, $0x1;
	_ =	strace $0x80000046;
	[dreg:$0x1] =	wrdreg $0xFFFFFFFF  }
0xa7: {  	s28 =	simm.s32 $_size_execute0_lowered;
	s2 =	sadd.s32 s2, s4;
	[dreg:$0x0] =	wrdreg $0x0  }
0xa8: {  	s4 =	sshll.u32 s28, $0x1;
	[dreg:$0x2] =	wrdreg s2  }
0xa9: {  	[dreg:$0x3] =	wrdreg s4  }
0xaa: {  	[dreg:$0x4] =	wrdreg $0xC0  }
0xab: {  	_ =	task [dreg:s6], $0x5FFFF  }
0xac: {  	[dreg:$0x1] =	wrdreg $0xFFFFFFFF  }
0xad: {  	[dreg:$0x0] =	wrdreg $0x60  }
0xae: {  	[dreg:$0x2] =	wrdreg s24  }
0xaf: {  	[dreg:$0x3] =	wrdreg $0x9  }
0xb0: {  	_ =	task.clear_ibuf [dreg:s6], $0x4FFFF;
	_ =	strace $0x90000046  }
0xb1: {  	s29 =	simm.s32 $0x9;
	_ =	strace $0x80000048  }
0xb2: {  	_ =	swait.ge [sflag:s29], $0x1  }
0xb3: {  	[sflag:s29] =	ssyncadd.s32 $0xFFFFFFFF  }
0xb4: {  	_ =	strace $0x90000048  }
0xb5: {  	_ =	sfence  }
0xb6: {  	s30 =	sld [smem:$0x0];
	_ =	sdelay $0x2  }
0xb7: {  	s31 =	sshll.u32 s1, $0xD;
	s1 =	sshrl.u32 s1, $0x2  }
0xb8: {  	s3 =	sand.u32 $0x4000, s31;
	s1 =	sadd.s32 s1, s30  }
0xb9: {  	s0 =	sor.u32 s3, s0;
	s1 =	sshll.u32 s1, $0x11  }
0xba: {  	s0 =	sor.u32 s1, s0  }
0xbb: {  	s0 =	sadd.s32 $0x8F2B, s0  }
0xbc: {  	[sflag:s0] =	ssyncadd.remote.s32 $0x1  }
0xbd: {  	_ =	sfence.sel $0xFFFF  }
0xbe: {  	[dreg:$0x0] =	wrdreg $0xFFFFFFFF;
	(pc) =	sbr.abs _section_cstart, $3  }
0xbf: {  	[dreg:$0x1] =	wrdreg $0xFFFFFFFF  }
0xc0: {  	_ =	task.clear_ibuf [dreg:s6], $0x2FFFF;
	_ =	strace $0x9FFFFFFF  }
0xc1: {  	(tm) =	ssettm $0x7FFFFFFF  }
tec
execute0_lowered:
.L_overlay_start_1:
0x0: {  	(tag) =	ssettag $0x1  }
0x1: {  	s3 =	rddreg [dreg:$0x0]  }
0x2: {  	s2 =	srdreg.scid;
	s0 =	rddreg [dreg:$0x1]  }
0x3: {  	s1 =	stileid.u32;
	s4 =	sand.u32 $0x1, s2;
	s2 =	simm.s32 $0x0  }
0x4: {  	s5 =	sshll.u32 s1, $0xF;
	s6 =	sshll.u32 s4, $0xE;
	s31 =	ssub.s32 $0x2, s4  }
0x5: {  	[smem:$0x7FF] =	sst s2;
	s5 =	sor.u32 s6, s5;
	s7 =	sshrl.u32 s31, $0x1  }
0x6: {  	_ =	strace $0x80000047;
	s5 =	sadd.s32 s5, s3;
	s6 =	ssub.s32 s31, s7  }
0x7: {  	s3 =	simm.s32 $0x1;
	s4 =	sadd.s32 $0x800, s5;
	s6 =	smax.u32 s6, $0x1  }
0x8: {  	[tilespmem:s2], [sflag:$0x1] =	stream.linear.gather [hbm4b:s4+s2], $0x20000, $0x38;
	v63 =	vld [tilespmem:$0x0]  }
0x9: {  	p0 =	sne.s32 s6, $0x1;
	_ =	swait.ge [sflag:s3], $0x20000  }
.Ltmp0:
0xa: {  	[sflag:s3] =	ssyncset.done $0x0;
	(pc) =	sbr.rel @!p0 .LBB2_2-.Ltmp0, $4  }
0xb: {  	s5 =	sadd.s32 $0x80800, s5;
	[sflag:s3] =	ssyncadd.s32 $0xFFFE0000  }
0xc: {  	[hbm4b:s5+s2] =	stream.linear.scatter [tilespmem:s2], [sflag:$0x1], $0x20000, $0x38;
	v63 =	vld [tilespmem:$0x0]  }
0xd: {  	_ =	swait.ge [sflag:s3], $0x20000  }
0xe: {  	s6 =	sadd.s32 $0xFFFFFFFF, s6;
	[sflag:s3] =	ssyncset.done $0x0  }
.LBB2_1:
0xf: {  	p0 =	sne.s32 s6, $0x1;
	s6 =	sadd.s32 $0xFFFFFFFF, s6;
	[sflag:s3] =	ssyncadd.s32 $0xFFFE0000  }
0x10: {  	[tilespmem:s2], [sflag:$0x1] =	stream.linear.gather [hbm4b:s4+s2], $0x20000, $0x38;
	v63 =	vld [tilespmem:$0x0]  }
0x11: {  	_ =	swait.ge [sflag:s3], $0x20000  }
.Ltmp1:
0x12: {  	[sflag:s3] =	ssyncset.done $0x0;
	(pc) =	sbr.rel @p0 .LBB2_1-.Ltmp1, $4  }
0x13: {  	[sflag:s3] =	ssyncadd.s32 $0xFFFE0000  }
0x14: {  	[hbm4b:s5+s2] =	stream.linear.scatter [tilespmem:s2], [sflag:$0x1], $0x20000, $0x38;
	v63 =	vld [tilespmem:$0x0]  }
0x15: {  	_ =	swait.ge [sflag:s3], $0x20000  }
0x16: {  	[sflag:s3] =	ssyncset.done $0x0  }
.LBB2_2:
0x17: {  	[sflag:s3] =	ssyncadd.s32 $0xFFFE0000  }
0x18: {  	_ =	sfence.sel $0x180000  }
0x19: {  	[bflag:$0x0] =	sbarrier.arrive $0xFFFF  }
0x1a: {  	p0 =	sne.s32 s1, $0x0;
	_ =	strace $0x90000047  }
0x1b: {  	s0 =	sadd.s32 @!p0 $0x100000, s0;
	[bflag:$0x2] =	sbarrier.arrive $0xFFFF  }
0x1c: {  	[sflag:s0] =	ssyncadd.tile.s32 @!p0 $0x1;
	_ =	shalt  }
.Lfunc_end2:
_tile_overlayer_lowered:
.L_overlay_start_2:
0x1d: {  	(tag) =	ssettag $0x2  }
0x1e: {  	s0 =	rddreg [dreg:$0x0];
	s2 =	stileid.u32  }
0x1f: {  	s1 =	rddreg [dreg:$0x1];
	p0 =	sne.s32 s2, $0x0  }
0x20: {  	s3 =	rddreg [dreg:$0x2];
	[bflag:$0x3] =	sbarrier.arrive $0xFFFF;
	s2 =	simm.s32 @!p0 $0x1C01  }
0x21: {  	[timem:s3], [sflag:s2] =	dma.local @!p0 [hbm:s0], s1  }
0x22: {  	s0 =	simm.s32 @!p0 $0x1  }
0x23: {  	_ =	swait.ge @!p0 [sflag:s0], s1  }
0x24: {  	s1 =	ssub.s32 @!p0 $0x0, s1;
	[sflag:s0] =	ssyncset.done @!p0 $0x0  }
0x25: {  	[sflag:s0] =	ssyncadd.s32 @!p0 s1  }
0x26: {  	[bflag:$0x3] =	sbarrier.arrive $0xFFFF  }
0x27: {  	_ =	shalt  }

</sc_bundles>
